<compile_context>
chip_gen: v7x
topology: tpu7x:2x2x1
jax: 0.10.2.dev20260603
libtpu: 0.0.44.dev20260713+nightly
codegen_flags: <defaults>
</compile_context>

<pallas_src>
import jax
import jax.numpy as jnp
from jax import lax
from jax.experimental import pallas as pl
from jax.experimental.pallas import tpu as pltpu
from jax.experimental.pallas import tpu_sc as plsc

_OFFSET = 1.0
_L_PDUR = 0.6
_L_WDUR = 0.3
_L_SDUR = 0.1

_B, _T, _W = 16, 4096, 512
_LANES = 16
_CHUNKS = _T // _LANES


def _sc_segsum_body(pred_hbm, gt_hbm, idx_hbm, out_hbm, val_v, idx_v, acc_v,
                    sem_v, sem_i):
    w = lax.axis_index("s") * 2 + lax.axis_index("c")

    @pl.when(w < _B)
    def _():
        pltpu.async_copy(pred_hbm.at[w], val_v, sem_v)

    @pl.when(w >= _B)
    def _():
        pltpu.async_copy(gt_hbm.at[w - _B], val_v, sem_v)

    cp_i = pltpu.async_copy(idx_hbm.at[w % _B], idx_v, sem_i)

    zeros = jnp.zeros((_LANES,), jnp.float32)

    def zbody(i, carry):
        acc_v[pl.ds(i * _LANES, _LANES)] = zeros
        return carry

    lax.fori_loop(0, _W // _LANES, zbody, 0)
    pltpu.make_async_copy(pred_hbm.at[0], val_v, sem_v).wait()
    cp_i.wait()

    def body(i, carry):
        v = jnp.maximum(val_v[pl.ds(i * _LANES, _LANES)], 0.0)
        ix = idx_v[pl.ds(i * _LANES, _LANES)]
        plsc.addupdate_scatter(acc_v, [ix], v)
        return carry

    lax.fori_loop(0, _CHUNKS, body, 0)
    pltpu.sync_copy(acc_v, out_hbm.at[w])


_sc_segsum = pl.kernel(
    _sc_segsum_body,
    out_type=jax.ShapeDtypeStruct((2 * _B, _W), jnp.float32),
    mesh=plsc.VectorSubcoreMesh(core_axis_name="c", subcore_axis_name="s"),
    compiler_params=pltpu.CompilerParams(
        needs_layout_passes=False, skip_device_barrier=True
    ),
    scratch_types=[
        pltpu.VMEM((_T,), jnp.float32),
        pltpu.VMEM((_T,), jnp.int32),
        pltpu.VMEM((_W,), jnp.float32),
        pltpu.SemaphoreType.DMA,
        pltpu.SemaphoreType.DMA,
    ],
)


def _tc_partial_body(pred_ref, gt_ref, idx_ref, out_ref):
    pred = pred_ref[...]
    gt = gt_ref[...]
    lp = jnp.log(pred + _OFFSET)
    lg = jnp.log(gt + _OFFSET)
    pdur_sse = jnp.sum((lp - lg) ** 2)

    predc = jnp.maximum(pred, 0.0)
    sp = jnp.sum(predc, axis=1, keepdims=True)
    sg = jnp.sum(gt, axis=1, keepdims=True)
    dsent = jnp.log(sp + _OFFSET) - jnp.log(sg + _OFFSET)
    sdur_sse = jnp.sum(dsent * dsent)

    mw = jnp.max(idx_ref[...]).astype(jnp.float32)

    out_ref[0, 0] = _L_PDUR * pdur_sse / (_B * _T) + _L_SDUR * sdur_sse / _B
    out_ref[0, 1] = mw


_tc_partial = pl.pallas_call(
    _tc_partial_body,
    out_shape=jax.ShapeDtypeStruct((1, 2), jnp.float32),
    in_specs=[pl.BlockSpec(memory_space=pltpu.VMEM)] * 3,
    out_specs=pl.BlockSpec(memory_space=pltpu.SMEM),
)


def _tc_combine_body(wdur_ref, part_ref, out_ref):
    wd = wdur_ref[...]
    dw = jnp.log(wd[:_B] + _OFFSET) - jnp.log(wd[_B:] + _OFFSET)
    col = lax.broadcasted_iota(jnp.int32, (_B, _W), 1)
    dw = jnp.where(col == 0, 0.0, dw)
    wdur_sse = jnp.sum(dw * dw)
    out_ref[0, 0] = part_ref[0, 0] + _L_WDUR * wdur_sse / (_B * part_ref[0, 1])


_tc_combine = pl.pallas_call(
    _tc_combine_body,
    out_shape=jax.ShapeDtypeStruct((1, 1), jnp.float32),
    in_specs=[
        pl.BlockSpec(memory_space=pltpu.VMEM),
        pl.BlockSpec(memory_space=pltpu.SMEM),
    ],
    out_specs=pl.BlockSpec(memory_space=pltpu.SMEM),
)


def kernel(dur_pred, dur_gt, ph2word):
    idx = ph2word.astype(jnp.int32)
    part = _tc_partial(dur_pred, dur_gt, idx)
    wdur = _sc_segsum(dur_pred, dur_gt, idx)
    out = _tc_combine(wdur, part)
    return out[0, 0]

# --- scband reference (transcript-rebuilt; emitter-appended) ---
"""Pipeline reference for scband-duration-loss-36618891165987 (READ-ONLY COPY).

The authoritative reference and input builder live on the scoring server;
editing this copy changes nothing except your own understanding.
"""

import jax, jax.numpy as jnp
import numpy as np

OFFSET = 1.0
LAMBDA_PDUR = 0.6
LAMBDA_WDUR = 0.3
LAMBDA_SDUR = 0.1


def setup_inputs(seed: int = 0) -> dict:
    key = jax.random.key(seed)
    k1, k2, k3 = jax.random.split(key, 3)
    B, T = 16, 4096
    dur_pred = jax.random.uniform(k1, (B, T), dtype=jnp.float32)
    dur_gt = jax.random.uniform(k2, (B, T), dtype=jnp.float32)
    ph2word = jnp.sort(jax.random.randint(k3, (B, T), 0, 512, dtype=jnp.int64), axis=-1)
    return {"dur_pred": dur_pred, "dur_gt": dur_gt, "ph2word": ph2word}


def _mse(a, b):
    return jnp.mean((a - b) ** 2)


def _linear2log(d):
    return jnp.log(d + OFFSET)


def reference(dur_pred, dur_gt, ph2word):
    dur_gt = dur_gt.astype(dur_pred.dtype)
    # phone-level duration loss
    pdur_loss = LAMBDA_PDUR * _mse(_linear2log(dur_pred), _linear2log(dur_gt))
    dur_pred_c = jnp.clip(dur_pred, 0.0, None)
    B = dur_pred.shape[0]
    W = 512
    max_word = ph2word.max()
    rows = jnp.broadcast_to(jnp.arange(B)[:, None], ph2word.shape)
    # word-level durations via scatter-add along dim=1 (torch scatter_add equivalent)
    wdur_pred = jnp.zeros((B, W), dtype=dur_pred.dtype).at[rows, ph2word].add(dur_pred_c)[:, 1:]
    wdur_gt = jnp.zeros((B, W), dtype=dur_gt.dtype).at[rows, ph2word].add(dur_gt)[:, 1:]
    n_valid = (B * max_word).astype(dur_pred.dtype)
    wdur_sse = jnp.sum((_linear2log(wdur_pred) - _linear2log(wdur_gt)) ** 2)
    wdur_loss = LAMBDA_WDUR * (wdur_sse / n_valid)
    # sentence-level durations
    sdur_pred = jnp.sum(dur_pred_c, axis=1)
    sdur_gt = jnp.sum(dur_gt, axis=1)
    sdur_loss = LAMBDA_SDUR * _mse(_linear2log(sdur_pred), _linear2log(sdur_gt))
    return pdur_loss + wdur_loss + sdur_loss

if __name__ == "__main__":
    import jax
    _d = setup_inputs()
    print(jax.jit(kernel)(*tuple(_d.values())))

</pallas_src>

<mosaic_0001>
#map = affine_map<(d0, d1) -> (0, 0)>
module attributes {stable_mosaic.version = 14 : i64} {
  func.func @_sc_segsum_body(%arg0: i32, %arg1: i32, %arg2: memref<16x4096xf32, #tpu.memory_space<hbm>>, %arg3: memref<16x4096xf32, #tpu.memory_space<hbm>>, %arg4: memref<16x4096xi32, #tpu.memory_space<hbm>>, %arg5: memref<32x512xf32, #tpu.memory_space<hbm>>, %arg6: memref<4096xf32, #tpu.memory_space<vmem>>, %arg7: memref<4096xi32, #tpu.memory_space<vmem>>, %arg8: memref<512xf32, #tpu.memory_space<vmem>>, %arg9: memref<!tpu.dma_semaphore, #tpu.memory_space<semaphore_mem>>, %arg10: memref<!tpu.dma_semaphore, #tpu.memory_space<semaphore_mem>>) attributes {dimension_semantics = [#tpu.dimension_semantics<core_parallel>, #tpu.dimension_semantics<subcore_parallel>], iteration_bounds = array<i64: 2, 16>, scalar_prefetch = 0 : i64, scratch_operands = 5 : i64, tpu.core_type = #tpu.core_type<sc_vector_subcore>, window_params = [{transform_indices = #map}, {transform_indices = #map}, {transform_indices = #map}, {transform_indices = #map}]} {
    %mul3A = arith.constant 2 : i32
    %mul3A_0 = arith.muli %arg1, %mul3A : i32
    %add3A = arith.addi %mul3A_0, %arg0 : i32
    %lt3A = arith.constant 16 : i32
    %lt3A_1 = arith.cmpi slt, %add3A, %lt3A : i32
    %convert_element_type3A = arith.extui %lt3A_1 : i1 to i32
    %cond3A = arith.constant 0 : i32
    %cond3A_2 = arith.cmpi ne, %convert_element_type3A, %cond3A : i32
    scf.if %cond3A_2 {
      %dma_start3A_46 = arith.constant 0 : i32
      %dma_start3A_47 = tpu.memref_slice %arg2[%add3A, %dma_start3A_46] : memref<16x4096xf32, #tpu.memory_space<hbm>> -> memref<1x4096xf32, #tpu.memory_space<hbm>>
      %dma_start3A_48 = tpu.memref_squeeze %dma_start3A_47 : memref<1x4096xf32, #tpu.memory_space<hbm>> -> memref<4096xf32, #tpu.memory_space<hbm>>
      %dma_start3A_49 = arith.constant 0 : i32
      %dma_start3A_50 = tpu.memref_slice %arg2[%add3A, %dma_start3A_49] : memref<16x4096xf32, #tpu.memory_space<hbm>> -> memref<1x4096xf32, #tpu.memory_space<hbm>>
      %dma_start3A_51 = tpu.memref_squeeze %dma_start3A_50 : memref<1x4096xf32, #tpu.memory_space<hbm>> -> memref<4096xf32, #tpu.memory_space<hbm>>
      tpu.enqueue_dma source(%dma_start3A_51 : memref<4096xf32, #tpu.memory_space<hbm>>) target(%arg6 : memref<4096xf32, #tpu.memory_space<vmem>>) target_semaphore(%arg9 : memref<!tpu.dma_semaphore, #tpu.memory_space<semaphore_mem>>)
    } else {
    }
    %ge3A = arith.constant 16 : i32
    %ge3A_3 = arith.cmpi sge, %add3A, %ge3A : i32
    %convert_element_type3A_4 = arith.extui %ge3A_3 : i1 to i32
    %cond3A_5 = arith.constant 0 : i32
    %cond3A_6 = arith.cmpi ne, %convert_element_type3A_4, %cond3A_5 : i32
    scf.if %cond3A_6 {
      %sub3A = arith.constant 16 : i32
      %sub3A_46 = arith.subi %add3A, %sub3A : i32
      %dma_start3A_47 = arith.constant 0 : i32
      %dma_start3A_48 = tpu.memref_slice %arg3[%sub3A_46, %dma_start3A_47] : memref<16x4096xf32, #tpu.memory_space<hbm>> -> memref<1x4096xf32, #tpu.memory_space<hbm>>
      %dma_start3A_49 = tpu.memref_squeeze %dma_start3A_48 : memref<1x4096xf32, #tpu.memory_space<hbm>> -> memref<4096xf32, #tpu.memory_space<hbm>>
      %dma_start3A_50 = arith.constant 0 : i32
      %dma_start3A_51 = tpu.memref_slice %arg3[%sub3A_46, %dma_start3A_50] : memref<16x4096xf32, #tpu.memory_space<hbm>> -> memref<1x4096xf32, #tpu.memory_space<hbm>>
      %dma_start3A_52 = tpu.memref_squeeze %dma_start3A_51 : memref<1x4096xf32, #tpu.memory_space<hbm>> -> memref<4096xf32, #tpu.memory_space<hbm>>
      tpu.enqueue_dma source(%dma_start3A_52 : memref<4096xf32, #tpu.memory_space<hbm>>) target(%arg6 : memref<4096xf32, #tpu.memory_space<vmem>>) target_semaphore(%arg9 : memref<!tpu.dma_semaphore, #tpu.memory_space<semaphore_mem>>)
    } else {
    }
    %jit3A = arith.constant 16 : i32
    %eq3A = arith.constant 0 : i32
    %eq3A_7 = arith.cmpi eq, %jit3A, %eq3A : i32
    %jit3A_8 = arith.constant 1 : i32
    %select_n3A = arith.select %eq3A_7, %jit3A_8, %jit3A : i32
    %rem3A = arith.remsi %add3A, %select_n3A : i32
    %ne3A = arith.constant 0 : i32
    %ne3A_9 = arith.cmpi ne, %rem3A, %ne3A : i32
    %lt3A_10 = arith.constant 0 : i32
    %lt3A_11 = arith.cmpi slt, %rem3A, %lt3A_10 : i32
    %lt3A_12 = arith.constant 0 : i32
    %lt3A_13 = arith.cmpi slt, %select_n3A, %lt3A_12 : i32
    %ne3A_14 = arith.xori %lt3A_11, %lt3A_13 : i1
    %and3A = arith.andi %ne3A_14, %ne3A_9 : i1
    %add3A_15 = arith.addi %rem3A, %select_n3A : i32
    %select_n3A_16 = arith.select %and3A, %add3A_15, %rem3A : i32
    %dma_start3A = arith.constant 0 : i32
    %dma_start3A_17 = tpu.memref_slice %arg4[%select_n3A_16, %dma_start3A] : memref<16x4096xi32, #tpu.memory_space<hbm>> -> memref<1x4096xi32, #tpu.memory_space<hbm>>
    %dma_start3A_18 = tpu.memref_squeeze %dma_start3A_17 : memref<1x4096xi32, #tpu.memory_space<hbm>> -> memref<4096xi32, #tpu.memory_space<hbm>>
    %dma_start3A_19 = arith.constant 0 : i32
    %dma_start3A_20 = tpu.memref_slice %arg4[%select_n3A_16, %dma_start3A_19] : memref<16x4096xi32, #tpu.memory_space<hbm>> -> memref<1x4096xi32, #tpu.memory_space<hbm>>
    %dma_start3A_21 = tpu.memref_squeeze %dma_start3A_20 : memref<1x4096xi32, #tpu.memory_space<hbm>> -> memref<4096xi32, #tpu.memory_space<hbm>>
    tpu.enqueue_dma source(%dma_start3A_21 : memref<4096xi32, #tpu.memory_space<hbm>>) target(%arg7 : memref<4096xi32, #tpu.memory_space<vmem>>) target_semaphore(%arg10 : memref<!tpu.dma_semaphore, #tpu.memory_space<semaphore_mem>>)
    %broadcast_in_dim3A = arith.constant 0.000000e+00 : f32
    %broadcast_in_dim3A_22 = vector.broadcast %broadcast_in_dim3A : f32 to vector<16xf32>
    %scan3A = arith.constant 0 : i32
    %scan3A_23 = arith.constant 0 : i32
    %scan3A_24 = arith.constant 32 : i32
    %scan3A_25 = arith.addi %scan3A_23, %scan3A_24 : i32
    %scan3A_26 = arith.constant 1 : i32
    scf.for %scan3A_46 = %scan3A_23 to %scan3A_25 step %scan3A_26  : i32 {
      %mul3A_47 = arith.constant 16 : i32
      %mul3A_48 = arith.muli %scan3A_46, %mul3A_47 : i32
      %swap3A = arith.index_cast %mul3A_48 : i32 to index
      %swap3A_49 = tpu.vector_load %arg8[%swap3A] {strides = array<i32>} : memref<512xf32, #tpu.memory_space<vmem>>, vector<16xf32>,
      tpu.vector_store %arg8[%swap3A], %broadcast_in_dim3A_22 {strides = array<i32>} : memref<512xf32, #tpu.memory_space<vmem>>, vector<16xf32>,
    }
    %scan3A_27 = arith.constant 32 : i32
    %dma_wait3A = arith.constant 0 : i32
    %dma_wait3A_28 = arith.constant 0 : i32
    %dma_wait3A_29 = tpu.memref_slice %arg2[%dma_wait3A, %dma_wait3A_28] : memref<16x4096xf32, #tpu.memory_space<hbm>> -> memref<1x4096xf32, #tpu.memory_space<hbm>>
    %dma_wait3A_30 = tpu.memref_squeeze %dma_wait3A_29 : memref<1x4096xf32, #tpu.memory_space<hbm>> -> memref<4096xf32, #tpu.memory_space<hbm>>
    %dma_wait3A_31 = arith.constant 0 : i32
    %dma_wait3A_32 = tpu.memref_slice %arg2[%dma_wait3A, %dma_wait3A_31] : memref<16x4096xf32, #tpu.memory_space<hbm>> -> memref<1x4096xf32, #tpu.memory_space<hbm>>
    %dma_wait3A_33 = tpu.memref_squeeze %dma_wait3A_32 : memref<1x4096xf32, #tpu.memory_space<hbm>> -> memref<4096xf32, #tpu.memory_space<hbm>>
    tpu.wait_dma2 semaphore(%arg9 : memref<!tpu.dma_semaphore, #tpu.memory_space<semaphore_mem>>) src(%dma_wait3A_33 : memref<4096xf32, #tpu.memory_space<hbm>>) dst(%arg6 : memref<4096xf32, #tpu.memory_space<vmem>>)
    %dma_wait3A_34 = arith.constant 0 : i32
    %dma_wait3A_35 = tpu.memref_slice %arg4[%select_n3A_16, %dma_wait3A_34] : memref<16x4096xi32, #tpu.memory_space<hbm>> -> memref<1x4096xi32, #tpu.memory_space<hbm>>
    %dma_wait3A_36 = tpu.memref_squeeze %dma_wait3A_35 : memref<1x4096xi32, #tpu.memory_space<hbm>> -> memref<4096xi32, #tpu.memory_space<hbm>>
    %dma_wait3A_37 = arith.constant 0 : i32
    %dma_wait3A_38 = tpu.memref_slice %arg4[%select_n3A_16, %dma_wait3A_37] : memref<16x4096xi32, #tpu.memory_space<hbm>> -> memref<1x4096xi32, #tpu.memory_space<hbm>>
    %dma_wait3A_39 = tpu.memref_squeeze %dma_wait3A_38 : memref<1x4096xi32, #tpu.memory_space<hbm>> -> memref<4096xi32, #tpu.memory_space<hbm>>
    tpu.wait_dma2 semaphore(%arg10 : memref<!tpu.dma_semaphore, #tpu.memory_space<semaphore_mem>>) src(%dma_wait3A_39 : memref<4096xi32, #tpu.memory_space<hbm>>) dst(%arg7 : memref<4096xi32, #tpu.memory_space<vmem>>)
    %scan3A_40 = arith.constant 0 : i32
    %scan3A_41 = arith.constant 0 : i32
    %scan3A_42 = arith.constant 256 : i32
    %scan3A_43 = arith.addi %scan3A_41, %scan3A_42 : i32
    %scan3A_44 = arith.constant 1 : i32
    scf.for %scan3A_46 = %scan3A_41 to %scan3A_43 step %scan3A_44  : i32 {
      %mul3A_47 = arith.constant 16 : i32
      %mul3A_48 = arith.muli %scan3A_46, %mul3A_47 : i32
      %get3A = arith.index_cast %mul3A_48 : i32 to index
      %get3A_49 = tpu.vector_load %arg6[%get3A] {strides = array<i32>} : memref<4096xf32, #tpu.memory_space<vmem>>, vector<16xf32>,
      %max3A = arith.constant 0.000000e+00 : f32
      %max3A_50 = vector.broadcast %max3A : f32 to vector<16xf32>
      %max3A_51 = arith.maximumf %get3A_49, %max3A_50 : vector<16xf32>
      %mul3A_52 = arith.constant 16 : i32
      %mul3A_53 = arith.muli %scan3A_46, %mul3A_52 : i32
      %get3A_54 = arith.index_cast %mul3A_53 : i32 to index
      %get3A_55 = tpu.vector_load %arg7[%get3A_54] {strides = array<i32>} : memref<4096xi32, #tpu.memory_space<vmem>>, vector<16xi32>,
      tpu.vector_store_idx %arg8[%get3A_55], %max3A_51 {add = true} : memref<512xf32, #tpu.memory_space<vmem>>[vector<16xi32>], vector<16xf32>,
    }
    %scan3A_45 = arith.constant 256 : i32
    "tpu.region"() ({
      %run_scoped3A = tpu.sem_alloc : memref<!tpu.dma_semaphore, #tpu.memory_space<semaphore_mem>>
      %dma_start3A_46 = arith.constant 0 : i32
      %dma_start3A_47 = tpu.memref_slice %arg5[%add3A, %dma_start3A_46] : memref<32x512xf32, #tpu.memory_space<hbm>> -> memref<1x512xf32, #tpu.memory_space<hbm>>
      %dma_start3A_48 = tpu.memref_squeeze %dma_start3A_47 : memref<1x512xf32, #tpu.memory_space<hbm>> -> memref<512xf32, #tpu.memory_space<hbm>>
      %dma_start3A_49 = arith.constant 0 : i32
      %dma_start3A_50 = tpu.memref_slice %arg5[%add3A, %dma_start3A_49] : memref<32x512xf32, #tpu.memory_space<hbm>> -> memref<1x512xf32, #tpu.memory_space<hbm>>
      %dma_start3A_51 = tpu.memref_squeeze %dma_start3A_50 : memref<1x512xf32, #tpu.memory_space<hbm>> -> memref<512xf32, #tpu.memory_space<hbm>>
      tpu.enqueue_dma source(%arg8 : memref<512xf32, #tpu.memory_space<vmem>>) target(%dma_start3A_51 : memref<512xf32, #tpu.memory_space<hbm>>) target_semaphore(%run_scoped3A : memref<!tpu.dma_semaphore, #tpu.memory_space<semaphore_mem>>)
      %dma_wait3A_52 = arith.constant 0 : i32
      %dma_wait3A_53 = tpu.memref_slice %arg5[%add3A, %dma_wait3A_52] : memref<32x512xf32, #tpu.memory_space<hbm>> -> memref<1x512xf32, #tpu.memory_space<hbm>>
      %dma_wait3A_54 = tpu.memref_squeeze %dma_wait3A_53 : memref<1x512xf32, #tpu.memory_space<hbm>> -> memref<512xf32, #tpu.memory_space<hbm>>
      %dma_wait3A_55 = arith.constant 0 : i32
      %dma_wait3A_56 = tpu.memref_slice %arg5[%add3A, %dma_wait3A_55] : memref<32x512xf32, #tpu.memory_space<hbm>> -> memref<1x512xf32, #tpu.memory_space<hbm>>
      %dma_wait3A_57 = tpu.memref_squeeze %dma_wait3A_56 : memref<1x512xf32, #tpu.memory_space<hbm>> -> memref<512xf32, #tpu.memory_space<hbm>>
      tpu.wait_dma2 semaphore(%run_scoped3A : memref<!tpu.dma_semaphore, #tpu.memory_space<semaphore_mem>>) src(%arg8 : memref<512xf32, #tpu.memory_space<vmem>>) dst(%dma_wait3A_57 : memref<512xf32, #tpu.memory_space<hbm>>)
      tpu.yield
    }) : () -> ()
    return
  }
}

module attributes {stable_mosaic.version = 14 : i64} {
  func.func @_tc_partial_body(%arg0: memref<16x4096xf32, #tpu.memory_space<vmem>>, %arg1: memref<16x4096xf32, #tpu.memory_space<vmem>>, %arg2: memref<16x4096xi32, #tpu.memory_space<vmem>>, %arg3: memref<1x2xf32, #tpu.memory_space<smem>>) attributes {dimension_semantics = [], scalar_prefetch = 0 : i64, scratch_operands = 0 : i64, tpu.core_type = #tpu.core_type<tc>} {
    %get3A = arith.constant 0 : index
    %get3A_0 = arith.constant 0 : index
    %get3A_1 = vector.load %arg0[%get3A, %get3A_0] : memref<16x4096xf32, #tpu.memory_space<vmem>>, vector<16x4096xf32>
    %get3A_2 = arith.constant 0 : index
    %get3A_3 = arith.constant 0 : index
    %get3A_4 = vector.load %arg1[%get3A_2, %get3A_3] : memref<16x4096xf32, #tpu.memory_space<vmem>>, vector<16x4096xf32>
    %add3A = arith.constant 1.000000e+00 : f32
    %add3A_5 = vector.broadcast %add3A : f32 to vector<16x4096xf32>
    %add3A_6 = arith.addf %get3A_1, %add3A_5 : vector<16x4096xf32>
    %log3A = math.log %add3A_6 : vector<16x4096xf32>
    %add3A_7 = arith.constant 1.000000e+00 : f32
    %add3A_8 = vector.broadcast %add3A_7 : f32 to vector<16x4096xf32>
    %add3A_9 = arith.addf %get3A_4, %add3A_8 : vector<16x4096xf32>
    %log3A_10 = math.log %add3A_9 : vector<16x4096xf32>
    %sub3A = arith.subf %log3A, %log3A_10 : vector<16x4096xf32>
    %integer_pow3A = arith.mulf %sub3A, %sub3A : vector<16x4096xf32>
    %reduce_sum3A = vector.shape_cast %integer_pow3A : vector<16x4096xf32> to vector<1x16x4096xf32>
    %reduce_sum3A_11 = arith.constant dense<0.000000e+00> : vector<1xf32>
    %reduce_sum3A_12 = vector.multi_reduction <add>, %reduce_sum3A, %reduce_sum3A_11 [1, 2] : vector<1x16x4096xf32> to vector<1xf32>
    %reduce_sum3A_13 = vector.shape_cast %reduce_sum3A_12 : vector<1xf32> to vector<1x1x1xf32>
    %reduce_sum3A_14 = vector.extract %reduce_sum3A_13[0, 0, 0] : f32 from vector<1x1x1xf32>
    %max3A = arith.constant 0.000000e+00 : f32
    %max3A_15 = vector.broadcast %max3A : f32 to vector<16x4096xf32>
    %max3A_16 = arith.maximumf %get3A_1, %max3A_15 : vector<16x4096xf32>
    %reduce_sum3A_17 = arith.constant dense<0.000000e+00> : vector<16xf32>
    %reduce_sum3A_18 = vector.multi_reduction <add>, %max3A_16, %reduce_sum3A_17 [1] : vector<16x4096xf32> to vector<16xf32>
    %broadcast_in_dim3A = vector.shape_cast %reduce_sum3A_18 : vector<16xf32> to vector<16x1xf32>
    %reduce_sum3A_19 = arith.constant dense<0.000000e+00> : vector<16xf32>
    %reduce_sum3A_20 = vector.multi_reduction <add>, %get3A_4, %reduce_sum3A_19 [1] : vector<16x4096xf32> to vector<16xf32>
    %broadcast_in_dim3A_21 = vector.shape_cast %reduce_sum3A_20 : vector<16xf32> to vector<16x1xf32>
    %add3A_22 = arith.constant 1.000000e+00 : f32
    %add3A_23 = vector.broadcast %add3A_22 : f32 to vector<16x1xf32>
    %add3A_24 = arith.addf %broadcast_in_dim3A, %add3A_23 : vector<16x1xf32>
    %log3A_25 = math.log %add3A_24 : vector<16x1xf32>
    %add3A_26 = arith.constant 1.000000e+00 : f32
    %add3A_27 = vector.broadcast %add3A_26 : f32 to vector<16x1xf32>
    %add3A_28 = arith.addf %broadcast_in_dim3A_21, %add3A_27 : vector<16x1xf32>
    %log3A_29 = math.log %add3A_28 : vector<16x1xf32>
    %sub3A_30 = arith.subf %log3A_25, %log3A_29 : vector<16x1xf32>
    %mul3A = arith.mulf %sub3A_30, %sub3A_30 : vector<16x1xf32>
    %reduce_sum3A_31 = vector.shape_cast %mul3A : vector<16x1xf32> to vector<1x16x1xf32>
    %reduce_sum3A_32 = arith.constant dense<0.000000e+00> : vector<1xf32>
    %reduce_sum3A_33 = vector.multi_reduction <add>, %reduce_sum3A_31, %reduce_sum3A_32 [1, 2] : vector<1x16x1xf32> to vector<1xf32>
    %reduce_sum3A_34 = vector.shape_cast %reduce_sum3A_33 : vector<1xf32> to vector<1x1x1xf32>
    %reduce_sum3A_35 = vector.extract %reduce_sum3A_34[0, 0, 0] : f32 from vector<1x1x1xf32>
    %get3A_36 = arith.constant 0 : index
    %get3A_37 = arith.constant 0 : index
    %get3A_38 = vector.load %arg2[%get3A_36, %get3A_37] : memref<16x4096xi32, #tpu.memory_space<vmem>>, vector<16x4096xi32>
    %reduce_max3A = vector.shape_cast %get3A_38 : vector<16x4096xi32> to vector<1x16x4096xi32>
    %reduce_max3A_39 = arith.constant dense<-2147483648> : vector<1xi32>
    %reduce_max3A_40 = vector.multi_reduction <maxsi>, %reduce_max3A, %reduce_max3A_39 [1, 2] : vector<1x16x4096xi32> to vector<1xi32>
    %reduce_max3A_41 = vector.shape_cast %reduce_max3A_40 : vector<1xi32> to vector<1x1x1xi32>
    %reduce_max3A_42 = vector.extract %reduce_max3A_41[0, 0, 0] : i32 from vector<1x1x1xi32>
    %convert_element_type3A = arith.sitofp %reduce_max3A_42 : i32 to f32
    %mul3A_43 = arith.constant 6.000000e-01 : f32
    %mul3A_44 = arith.mulf %mul3A_43, %reduce_sum3A_14 : f32
    %div3A = arith.constant 6.553600e+04 : f32
    %div3A_45 = arith.divf %mul3A_44, %div3A : f32
    %mul3A_46 = arith.constant 1.000000e-01 : f32
    %mul3A_47 = arith.mulf %mul3A_46, %reduce_sum3A_35 : f32
    %div3A_48 = arith.constant 1.600000e+01 : f32
    %div3A_49 = arith.divf %mul3A_47, %div3A_48 : f32
    %add3A_50 = arith.addf %div3A_45, %div3A_49 : f32
    %swap3A = arith.constant 0 : index
    %swap3A_51 = arith.constant 0 : index
    %swap3A_52 = memref.load %arg3[%swap3A, %swap3A_51] : memref<1x2xf32, #tpu.memory_space<smem>>
    memref.store %add3A_50, %arg3[%swap3A, %swap3A_51] : memref<1x2xf32, #tpu.memory_space<smem>>
    %swap3A_53 = arith.constant 0 : index
    %swap3A_54 = arith.constant 1 : index
    %swap3A_55 = memref.load %arg3[%swap3A_53, %swap3A_54] : memref<1x2xf32, #tpu.memory_space<smem>>
    memref.store %convert_element_type3A, %arg3[%swap3A_53, %swap3A_54] : memref<1x2xf32, #tpu.memory_space<smem>>
    return
  }
}

module attributes {stable_mosaic.version = 14 : i64} {
  func.func @_tc_combine_body(%arg0: memref<32x512xf32, #tpu.memory_space<vmem>>, %arg1: memref<1x2xf32, #tpu.memory_space<smem>>, %arg2: memref<1x1xf32, #tpu.memory_space<smem>>) attributes {dimension_semantics = [], scalar_prefetch = 0 : i64, scratch_operands = 0 : i64, tpu.core_type = #tpu.core_type<tc>} {
    %get3A = arith.constant 0 : index
    %get3A_0 = arith.constant 0 : index
    %get3A_1 = vector.load %arg0[%get3A, %get3A_0] : memref<32x512xf32, #tpu.memory_space<vmem>>, vector<32x512xf32>
    %slice3A = vector.extract_strided_slice %get3A_1 {offsets = [0, 0], sizes = [16, 512], strides = [1, 1]} : vector<32x512xf32> to vector<16x512xf32>
    %add3A = arith.constant 1.000000e+00 : f32
    %add3A_2 = vector.broadcast %add3A : f32 to vector<16x512xf32>
    %add3A_3 = arith.addf %slice3A, %add3A_2 : vector<16x512xf32>
    %log3A = math.log %add3A_3 : vector<16x512xf32>
    %slice3A_4 = vector.extract_strided_slice %get3A_1 {offsets = [16, 0], sizes = [16, 512], strides = [1, 1]} : vector<32x512xf32> to vector<16x512xf32>
    %add3A_5 = arith.constant 1.000000e+00 : f32
    %add3A_6 = vector.broadcast %add3A_5 : f32 to vector<16x512xf32>
    %add3A_7 = arith.addf %slice3A_4, %add3A_6 : vector<16x512xf32>
    %log3A_8 = math.log %add3A_7 : vector<16x512xf32>
    %sub3A = arith.subf %log3A, %log3A_8 : vector<16x512xf32>
    %iota3A = tpu.iota {dimensions = array<i32: 1>} : vector<16x512xi32>
    %eq3A = arith.constant 0 : i32
    %eq3A_9 = vector.broadcast %eq3A : i32 to vector<16x512xi32>
    %eq3A_10 = arith.cmpi eq, %iota3A, %eq3A_9 : vector<16x512xi32>
    %jit3A = arith.constant 0.000000e+00 : f32
    %broadcast_in_dim3A = vector.broadcast %jit3A : f32 to vector<16x512xf32>
    %select_n3A = arith.select %eq3A_10, %broadcast_in_dim3A, %sub3A : vector<16x512xi1>, vector<16x512xf32>
    %mul3A = arith.mulf %select_n3A, %select_n3A : vector<16x512xf32>
    %reduce_sum3A = vector.shape_cast %mul3A : vector<16x512xf32> to vector<1x16x512xf32>
    %reduce_sum3A_11 = arith.constant dense<0.000000e+00> : vector<1xf32>
    %reduce_sum3A_12 = vector.multi_reduction <add>, %reduce_sum3A, %reduce_sum3A_11 [1, 2] : vector<1x16x512xf32> to vector<1xf32>
    %reduce_sum3A_13 = vector.shape_cast %reduce_sum3A_12 : vector<1xf32> to vector<1x1x1xf32>
    %reduce_sum3A_14 = vector.extract %reduce_sum3A_13[0, 0, 0] : f32 from vector<1x1x1xf32>
    %get3A_15 = arith.constant 0 : index
    %get3A_16 = arith.constant 0 : index
    %get3A_17 = memref.load %arg1[%get3A_15, %get3A_16] : memref<1x2xf32, #tpu.memory_space<smem>>
    %mul3A_18 = arith.constant 3.000000e-01 : f32
    %mul3A_19 = arith.mulf %mul3A_18, %reduce_sum3A_14 : f32
    %get3A_20 = arith.constant 0 : index
    %get3A_21 = arith.constant 1 : index
    %get3A_22 = memref.load %arg1[%get3A_20, %get3A_21] : memref<1x2xf32, #tpu.memory_space<smem>>
    %mul3A_23 = arith.constant 1.600000e+01 : f32
    %mul3A_24 = arith.mulf %mul3A_23, %get3A_22 : f32
    %div3A = arith.divf %mul3A_19, %mul3A_24 : f32
    %add3A_25 = arith.addf %get3A_17, %div3A : f32
    %swap3A = arith.constant 0 : index
    %swap3A_26 = arith.constant 0 : index
    %swap3A_27 = memref.load %arg2[%swap3A, %swap3A_26] : memref<1x1xf32, #tpu.memory_space<smem>>
    memref.store %add3A_25, %arg2[%swap3A, %swap3A_26] : memref<1x1xf32, #tpu.memory_space<smem>>
    return
  }
}

</mosaic_0001>

<sc_bundles>
// kernel: kernel.5.cloned.1.call-start
scs
__scs_entry_jumppad:
0x0: {  	(pc) =	sbr.rel $0x88, $3  }
0x1: {  	(tag) =	ssettag $0x0;
	lr =	simm.s32 $0x1  }
0x2: {  	[smem:$0x3F9E] =	sst lr;
	_ =	strace $0xD0000000  }
0x3: {  	_ = 	snop  }
0x4: {  	_ = 	snop  }
0x5: {  	_ = 	snop  }
0x6: {  	_ = 	snop  }
0x7: {  	_ = 	snop  }
__scs_overlays_trampoline_lowered:
0x8: {  	[smem:$0x3FAD] =	sst s0  }
0x9: {  	[smem:$0x3FAE] =	sst s1  }
0xa: {  	[smem:$0x3FAF] =	sst s2  }
0xb: {  	[smem:$0x3FB0] =	sst s3  }
0xc: {  	[smem:$0x3FB1] =	sst s4  }
0xd: {  	[smem:$0x3FB2] =	sst s5  }
0xe: {  	[smem:$0x3FB3] =	sst s6  }
0xf: {  	[smem:$0x3FB4] =	sst s7  }
0x10: {  	[smem:$0x3FB5] =	sst s8  }
0x11: {  	[smem:$0x3FB6] =	sst s9;
	s0 =	simm.s32 @!p0 $0x0  }
0x12: {  	s1 =	sld [smem:$0x3F9C];
	s0 =	simm.s32 @p0 $0x1  }
0x13: {  	[smem:$0x3FB7] =	sst s0;
	s0 =	simm.s32 @!p1 $0x0  }
0x14: {  	s2 =	sld [smem:$0x3F9B];
	s0 =	simm.s32 @p1 $0x1  }
0x15: {  	[smem:$0x3FB8] =	sst s0;
	s0 =	simm.s32 @!p2 $0x0  }
0x16: {  	s3 =	sld [smem:$0x3FDB];
	s0 =	simm.s32 @p2 $0x1  }
0x17: {  	s4 =	simm.s32 $0x1BF5;
	[smem:$0x3FBA] =	sst s0  }
0x18: {  	s0 =	sld [smem:$0x3F9D];
	_ =	swait.ge [sflag:s4], $0x0  }
0x19: {  	s7 =	sld [smem:$0x3F9E]  }
0x1a: {  	s8 =	sadd.s32 $0xFFFFE003, lr  }
0x1b: {  	s9 =	sadd.s32 $0xFFFFFEF7, lr;
	s5 =	simm.s32 $0xFFFFFFFF;
	p2 =	slt.u32 s8, $0xFFFFF086  }
0x1c: {  	p1 =	slt.u32 s9, $0xF7A;
	s5 =	simm.s32 @!p2 $0x0  }
0x1d: {  	s5 =	simm.s32 @p1 $0x1;
	p0 =	seq.s32 s7, s2  }
0x1e: {  	s7 =	smul.u32 @!p0 $0xF7A, s2;
	p2 =	seq.s32 @!p0 s5, $0x0  }
0x1f: {  	s9 =	smul.u32 $0xF7A, s1;
	s8 =	simm.s32 @!p0 $0x1BF5;
	p2 =	por !p2, p0  }
0x20: {  	[sflag:s8] =	ssyncset.s32 @!p0 $0xFFFFF086;
	s6 =	sadd.s32 @!p0 s3, s7;
	s7 =	simm.s32 @!p0 $0x108  }
0x21: {  	s3 =	sadd.s32 s3, s9;
	s6 =	sadd.s32 @!p0 $0x88, s6;
	s7 =	simm.s32 @p2 $0x1082  }
0x22: {  	[simem:s7], [sflag:s8] =	dma.local @!p0 [hbm:s6], $0xF7A  }
0x23: {  	s9 =	sor.u32 $0xD0000000, s2;
	s6 =	simm.s32 $0x108;
	_ =	swait.ge @!p0 [sflag:s8], $0x0  }
0x24: {  	s3 =	sadd.s32 $0x88, s3;
	s6 =	simm.s32 @!p1 $0x1082;
	[sflag:s4] =	ssyncset.s32 $0xFFFFF086  }
0x25: {  	[simem:s6], [sflag:s4] =	dma.local [hbm:s3], $0xF7A  }
0x26: {  	[smem:$0x3F9E] =	sst s1;
	(tag) =	ssettag s2;
	_ =	strace s9  }
0x27: {  	s1 =	sld [smem:$0x3FAE]  }
0x28: {  	s2 =	sld [smem:$0x3FAF]  }
0x29: {  	s4 =	sld [smem:$0x3FB1]  }
0x2a: {  	p0 =	seq.s32 s5, $0x0;
	s5 =	sld [smem:$0x3FB2]  }
0x2b: {  	s6 =	sld [smem:$0x3FB3]  }
0x2c: {  	s7 =	sld [smem:$0x3FB4]  }
0x2d: {  	s3 =	simm.s32 $0x108;
	s8 =	sld [smem:$0x3FB5]  }
0x2e: {  	s3 =	simm.s32 @!p0 $0x1082;
	s9 =	sld [smem:$0x3FB6]  }
0x2f: {  	lr =	sadd.s32 s0, s3;
	s0 =	sld [smem:$0x3FAD]  }
0x30: {  	s3 =	sld [smem:$0x3FB0]  }
0x31: {  	[smem:$0x3FB9] =	sst s10  }
0x32: {  	s10 =	sld [smem:$0x3FB7];
	_ =	sdelay $0x3  }
0x33: {  	p0 =	seq.s32 s10, $0x1;
	s10 =	sld [smem:$0x3FB9];
	_ =	sdelay $0x3  }
0x34: {  	[smem:$0x3FB9] =	sst s10  }
0x35: {  	s10 =	sld [smem:$0x3FB8];
	_ =	sdelay $0x3  }
0x36: {  	p1 =	seq.s32 s10, $0x1;
	s10 =	sld [smem:$0x3FB9];
	_ =	sdelay $0x3  }
0x37: {  	[smem:$0x3FB9] =	sst s10  }
0x38: {  	s10 =	sld [smem:$0x3FBA]  }
0x39: {  	_ = 	snop;
	(pc) =	sbr.ind lr, $3  }
0x3a: {  	_ = 	snop  }
0x3b: {  	_ = 	snop  }
0x3c: {  	p2 =	seq.s32 s10, $0x1;
	s10 =	sld [smem:$0x3FB9]  }
0x3d: {  	_ =	shalt  }
0x3e: {  	_ =	shalt  }
0x3f: {  	_ =	shalt  }
0x40: {  	_ =	shalt  }
0x41: {  	_ =	shalt  }
0x42: {  	_ =	shalt  }
0x43: {  	_ =	shalt  }
0x44: {  	_ =	shalt  }
0x45: {  	_ =	shalt  }
0x46: {  	_ =	shalt  }
0x47: {  	_ =	shalt  }
0x48: {  	_ =	shalt  }
0x49: {  	_ =	shalt  }
0x4a: {  	_ =	shalt  }
0x4b: {  	_ =	shalt  }
0x4c: {  	_ =	shalt  }
0x4d: {  	_ =	shalt  }
0x4e: {  	_ =	shalt  }
0x4f: {  	_ =	shalt  }
0x50: {  	_ =	shalt  }
0x51: {  	_ =	shalt  }
0x52: {  	_ =	shalt  }
0x53: {  	_ =	shalt  }
0x54: {  	_ =	shalt  }
0x55: {  	_ =	shalt  }
0x56: {  	_ =	shalt  }
0x57: {  	_ =	shalt  }
0x58: {  	_ =	shalt  }
0x59: {  	_ =	shalt  }
0x5a: {  	_ =	shalt  }
0x5b: {  	_ =	shalt  }
0x5c: {  	_ =	shalt  }
0x5d: {  	_ =	shalt  }
0x5e: {  	_ =	shalt  }
0x5f: {  	_ =	shalt  }
0x60: {  	_ =	shalt  }
0x61: {  	_ =	shalt  }
0x62: {  	_ =	shalt  }
0x63: {  	_ =	shalt  }
0x64: {  	_ =	shalt  }
0x65: {  	_ =	shalt  }
0x66: {  	_ =	shalt  }
0x67: {  	_ =	shalt  }
0x68: {  	_ =	shalt  }
0x69: {  	_ =	shalt  }
0x6a: {  	_ =	shalt  }
0x6b: {  	_ =	shalt  }
0x6c: {  	_ =	shalt  }
0x6d: {  	_ =	shalt  }
0x6e: {  	_ =	shalt  }
0x6f: {  	_ =	shalt  }
0x70: {  	_ =	shalt  }
0x71: {  	_ =	shalt  }
0x72: {  	_ =	shalt  }
0x73: {  	_ =	shalt  }
0x74: {  	_ =	shalt  }
0x75: {  	_ =	shalt  }
0x76: {  	_ =	shalt  }
0x77: {  	_ =	shalt  }
0x78: {  	_ =	shalt  }
0x79: {  	_ =	shalt  }
0x7a: {  	_ =	shalt  }
0x7b: {  	_ =	shalt  }
0x7c: {  	_ =	shalt  }
0x7d: {  	_ =	shalt  }
0x7e: {  	_ =	shalt  }
0x7f: {  	_ =	shalt  }
0x80: {  	_ =	shalt  }
0x81: {  	_ =	shalt  }
0x82: {  	_ =	shalt  }
0x83: {  	_ =	shalt  }
0x84: {  	_ =	shalt  }
0x85: {  	_ =	shalt  }
0x86: {  	_ =	shalt  }
0x87: {  	_ =	shalt  }
.Lfunc_end0:
.L_simem_size_0:
called_computation_lowered:
.L_overlay_start_0:
0x88: {  	s2 =	sld [smem:$0x3FD9]  }
0x89: {  	s3 =	sld [smem:$0x3FFE];
	_ =	sdelay $0x1  }
0x8a: {  	s1 =	srdreg.scid  }
0x8b: {  	s0 =	sand.u32 $0x1, s1  }
0x8c: {  	s17 =	sshll.u32 s0, $0xA;
	s2 =	sadd.s32 s3, s2  }
0x8d: {  	s2 =	sadd.s32 s2, s17  }
0x8e: {  	[smem:$0x3FC5] =	sst s2  }
0x8f: {  	_ = 	snop  }
0x90: {  	s2 =	sld [smem:$0x3FC9]  }
0x91: {  	s18 =	sld [smem:$0x3FC8]  }
0x92: {  	s4 =	sld [smem:$0x3FC7];
	(tm) =	ssettm $0x1  }
0x93: {  	s5 =	sld [smem:$0x3FFB];
	_ =	sdelay $0x3  }
0x94: {  	_ =	strace s5  }
0x95: {  	s5 =	sld [smem:$0x3FFC];
	_ =	sdelay $0x3  }
0x96: {  	_ =	strace s5  }
0x97: {  	s5 =	sld [smem:$0x3FFD];
	_ =	sdelay $0x3  }
0x98: {  	_ =	strace s5  }
0x99: {  	_ =	strace $0x8FFFFFFF  }
0x9a: {  	s19 =	sld [smem:$0x3FDB];
	_ =	sdelay $0x1  }
0x9b: {  	s6 =	simm.s32 $_scs_section_size  }
0x9c: {  	s7 =	simm.s32 $_size__tile_overlayer_lowered;
	s8 =	simm.s32 $_tile_overlayer_lowered  }
0x9d: {  	s22 =	simm.s32 $0x1BFF;
	s21 =	sshll.u32 s8, $0x1;
	s5 =	sadd.s32 s6, s19  }
0x9e: {  	s9 =	simm.s32 $0x0;
	s20 =	sshll.u32 s7, $0x1;
	s7 =	sadd.s32 s21, s5  }
0x9f: {  	[timem:s9], [sflag:s22] =	dma.local [hbm:s7], s20  }
0xa0: {  	_ =	swait.ge [sflag:s22], s20  }
0xa1: {  	s6 =	ssub.s32 $0x0, s20;
	[sflag:s22] =	ssyncset.done $0x0  }
0xa2: {  	[sflag:s22] =	ssyncadd.s32 s6;
	_ =	sdelay $0x1  }
0xa3: {  	s23 =	simm.s32 $0x1B8B  }
0xa4: {  	_ =	swait.ge [sflag:s23], $0x1  }
0xa5: {  	[sflag:s23] =	ssyncset.done $0x0  }
0xa6: {  	s25 =	simm.s32 $0x1B8E;
	s24 =	sld [smem:$0x3FFE];
	[sflag:s23] =	ssyncadd.s32 $0xFFFFFFFF  }
0xa7: {  	s26 =	simm.s32 $execute0_lowered;
	[smem:$0x3FD2] =	sst s25  }
0xa8: {  	s7 =	sshll.u32 s26, $0x1;
	_ =	strace $0x80000046;
	[dreg:$0x1] =	wrdreg $0xFFFFFFFF  }
0xa9: {  	s28 =	simm.s32 $_size_execute0_lowered;
	s5 =	sadd.s32 s5, s7;
	[dreg:$0x0] =	wrdreg $0x0  }
0xaa: {  	s7 =	sshll.u32 s28, $0x1;
	[dreg:$0x2] =	wrdreg s5  }
0xab: {  	[dreg:$0x3] =	wrdreg s7  }
0xac: {  	[dreg:$0x4] =	wrdreg $0xC0  }
0xad: {  	_ =	task [dreg:s9], $0x5FFFF  }
0xae: {  	[dreg:$0x1] =	wrdreg $0xFFFFFFFF  }
0xaf: {  	[dreg:$0x0] =	wrdreg $0x60  }
0xb0: {  	[dreg:$0x2] =	wrdreg s2  }
0xb1: {  	[dreg:$0x3] =	wrdreg s18  }
0xb2: {  	[dreg:$0x4] =	wrdreg s4  }
0xb3: {  	[dreg:$0x5] =	wrdreg s24  }
0xb4: {  	[dreg:$0x6] =	wrdreg $0x9  }
0xb5: {  	_ =	task.clear_ibuf [dreg:s9], $0x7FFFF;
	_ =	strace $0x90000046  }
0xb6: {  	s29 =	simm.s32 $0x9;
	_ =	strace $0x80000048  }
0xb7: {  	_ =	swait.ge [sflag:s29], $0x1  }
0xb8: {  	[sflag:s29] =	ssyncadd.s32 $0xFFFFFFFF  }
0xb9: {  	_ =	strace $0x90000048  }
0xba: {  	_ =	sfence  }
0xbb: {  	s30 =	sld [smem:$0x0];
	_ =	sdelay $0x2  }
0xbc: {  	s31 =	sshll.u32 s1, $0xD;
	s1 =	sshrl.u32 s1, $0x2  }
0xbd: {  	s3 =	sand.u32 $0x4000, s31;
	s1 =	sadd.s32 s1, s30  }
0xbe: {  	s0 =	sor.u32 s3, s0;
	s1 =	sshll.u32 s1, $0x11  }
0xbf: {  	s0 =	sor.u32 s1, s0  }
0xc0: {  	s0 =	sadd.s32 $0x8F2B, s0  }
0xc1: {  	[sflag:s0] =	ssyncadd.remote.s32 $0x1  }
0xc2: {  	_ =	sfence.sel $0xFFFF  }
0xc3: {  	[dreg:$0x0] =	wrdreg $0xFFFFFFFF;
	(pc) =	sbr.abs _section_cstart, $3  }
0xc4: {  	[dreg:$0x1] =	wrdreg $0xFFFFFFFF  }
0xc5: {  	_ =	task.clear_ibuf [dreg:s9], $0x2FFFF;
	_ =	strace $0x9FFFFFFF  }
0xc6: {  	(tm) =	ssettm $0x7FFFFFFF  }
0xc7: {  	_ =	shalt  }
tec
execute0_lowered:
.L_overlay_start_1:
0x0: {  	(tag) =	ssettag $0x1  }
0x1: {  	s3 =	rddreg [dreg:$0x0]  }
0x2: {  	s4 =	rddreg [dreg:$0x1]  }
0x3: {  	s5 =	rddreg [dreg:$0x2];
	s1 =	srdreg.scid  }
0x4: {  	s0 =	stileid.u32;
	s6 =	rddreg [dreg:$0x3]  }
0x5: {  	s13 =	simm.s32 $0x3;
	s14 =	simm.s32 $0x0;
	s7 =	sand.u32 $0x1, s1  }
0x6: {  	s2 =	sshll.u32 s0, $0x1;
	s1 =	rddreg [dreg:$0x4];
	s10 =	sshll.u32 s0, $0xA  }
0x7: {  	s12 =	sshll.u32 s0, $0xD;
	p0 =	slt.u32 s0, $0x8;
	s8 =	sor.u32 s7, s2  }
0x8: {  	s2 =	simm.s32 $0x0;
	s7 =	ssub.s32 $0x2, s7;
	s9 =	sshll.u32 s8, $0x7  }
0x9: {  	[smem:$0x7FF] =	sst s2;
	s29 =	sshrl.u32 s7, $0x1;
	s8 =	sshll.u32 s8, $0x4  }
0xa: {  	s11 =	sor.u32 s10, s9;
	_ =	strace $0x80000047;
	s9 =	sor.u32 s12, s9  }
0xb: {  	s7 =	ssub.s32 s7, s29;
	s10 =	sand.u32 $0x1000, s10;
	s8 =	sand.u32 $0x70, s8  }
0xc: {  	s11 =	sand.u32 $0x3380, s11;
	s12 =	sand.u32 $0x18380, s9;
	s10 =	sadd.s32 s3, s10  }
0xd: {  	s9 =	sand.u32 $0x8380, s9;
	s11 =	sshrl.u32 s11, $0x3;
	s30 =	sadd.s32 $0xFFFF0000, s12  }
0xe: {  	s8 =	sadd.s32 s8, s10;
	s31 =	sshrl.u32 s9, $0x3;
	s9 =	simm.s32 $0x1000  }
0xf: {  	s10 =	simm.s32 $0x1;
	s6 =	sadd.s32 s11, s6;
	s11 =	sshrl.u32 s30, $0x3  }
0x10: {  	s12 =	simm.s32 $0x2000;
	s3 =	sadd.s32 s4, s11;
	s4 =	sadd.s32 s5, s31  }
0x11: {  	s5 =	sadd.s32 $0xC00, s6;
	s6 =	smax.u32 s7, $0x1;
	s7 =	simm.s32 $0x80  }
0x12: {  	v0 =	vimm.f32 $0.0e+00;
	s11 =	simm.s32 $0x2;
	s3 =	smov.u32 @p0 s8;
	s8 =	simm.s32 $0x400  }
.LBB2_1:
0x13: {  	[tilespmem:s2], [sflag:$0x1] =	stream.strided.gather [hbm4b:s3+s7], $0x1000, s8, s7, $0x38;
	[tilespmem:$0x2200] =	vst v63  }
0x14: {  	_ = 	snop  }
0x15: {  	[tilespmem:s9], [sflag:$0x2] =	stream.strided.gather [hbm4b:s4+s7], $0x1000, s8, s7, $0x38;
	[tilespmem:$0x2200] =	vst v63  }
0x16: {  	[tilespmem:$0x2000] =	vst v0  }
0x17: {  	[tilespmem:$0x2010] =	vst v0  }
0x18: {  	[tilespmem:$0x2020] =	vst v0  }
0x19: {  	[tilespmem:$0x2030] =	vst v0  }
0x1a: {  	[tilespmem:$0x2040] =	vst v0  }
0x1b: {  	[tilespmem:$0x2050] =	vst v0  }
0x1c: {  	[tilespmem:$0x2060] =	vst v0  }
0x1d: {  	[tilespmem:$0x2070] =	vst v0  }
0x1e: {  	[tilespmem:$0x2080] =	vst v0  }
0x1f: {  	[tilespmem:$0x2090] =	vst v0  }
0x20: {  	[tilespmem:$0x20A0] =	vst v0  }
0x21: {  	[tilespmem:$0x20B0] =	vst v0  }
0x22: {  	[tilespmem:$0x20C0] =	vst v0  }
0x23: {  	[tilespmem:$0x20D0] =	vst v0  }
0x24: {  	[tilespmem:$0x20E0] =	vst v0  }
0x25: {  	[tilespmem:$0x20F0] =	vst v0  }
0x26: {  	[tilespmem:$0x2100] =	vst v0  }
0x27: {  	[tilespmem:$0x2110] =	vst v0  }
0x28: {  	[tilespmem:$0x2120] =	vst v0  }
0x29: {  	[tilespmem:$0x2130] =	vst v0  }
0x2a: {  	[tilespmem:$0x2140] =	vst v0  }
0x2b: {  	[tilespmem:$0x2150] =	vst v0  }
0x2c: {  	[tilespmem:$0x2160] =	vst v0  }
0x2d: {  	[tilespmem:$0x2170] =	vst v0  }
0x2e: {  	[tilespmem:$0x2180] =	vst v0  }
0x2f: {  	[tilespmem:$0x2190] =	vst v0  }
0x30: {  	[tilespmem:$0x21A0] =	vst v0  }
0x31: {  	[tilespmem:$0x21B0] =	vst v0  }
0x32: {  	[tilespmem:$0x21C0] =	vst v0  }
0x33: {  	[tilespmem:$0x21D0] =	vst v0  }
0x34: {  	[tilespmem:$0x21E0] =	vst v0  }
0x35: {  	[tilespmem:$0x21F0] =	vst v0  }
0x36: {  	_ =	swait.ge [sflag:s10], $0x1000  }
0x37: {  	[sflag:s10] =	ssyncset.done $0x0  }
0x38: {  	[sflag:s10] =	ssyncadd.s32 $0xFFFFF000  }
0x39: {  	_ =	swait.ge [sflag:s11], $0x1000  }
0x3a: {  	[sflag:s11] =	ssyncset.done $0x0  }
0x3b: {  	s16 =	simm.s32 $0x0;
	s15 =	simm.s32 $0x40;
	[sflag:s11] =	ssyncadd.s32 $0xFFFFF000  }
.LBB2_2:
0x3c: {  	p0 =	sne.s32 s15, $0x3FC0;
	v1 =	vld [tilespmem:s16+$0x1000];
	_ =	sdelay $0x1  }
0x3d: {  	v2 =	vld [tilespmem:s16+$0x0];
	_ =	sdelay $0x1  }
.Ltmp0:
0x3e: {  	(pc) =	sbr.rel @p0 .LBB2_2-.Ltmp0, $3  }
0x3f: {  	_ =	sdelay $0x1  }
0x40: {  	v2 =	vmax.f32 v2, $0.0e+00  }
0x41: {  	s16 =	sshra.s32 s15, $0x2;
	s15 =	sadd.s32 $0x40, s15;
	[tilespmem:v1+s12+$0x0] =	vst.idx.add.f32.msk $0xffff, v2  }
0x42: {  	v1 =	vld [tilespmem:s16+$0x1000];
	_ =	sdelay $0x1  }
0x43: {  	v2 =	vld [tilespmem:s16+$0x0];
	_ =	sdelay $0x3  }
0x44: {  	s14 =	sadd.s32 $0x1, s14  }
0x45: {  	p0 =	sne.s32 s14, s6;
	v2 =	vmax.f32 v2, $0.0e+00  }
.Ltmp1:
0x46: {  	[tilespmem:v1+s12+$0x0] =	vst.idx.add.f32.msk $0xffff, v2;
	(pc) =	sbr.rel @p0 .LBB2_1-.Ltmp1, $4  }
0x47: {  	[hbm4b:s5+s7] =	stream.strided.scatter [tilespmem:s12], [sflag:$0x3], $0x200, s8, s7, $0x38;
	[tilespmem:$0x2200] =	vst v63  }
0x48: {  	_ =	swait.ge [sflag:s13], $0x200  }
0x49: {  	[sflag:s13] =	ssyncset.done $0x0  }
0x4a: {  	[sflag:s13] =	ssyncadd.s32 $0xFFFFFE00  }
0x4b: {  	_ =	sfence.sel $0x180000  }
0x4c: {  	[bflag:$0x0] =	sbarrier.arrive $0xFFFF  }
0x4d: {  	p0 =	sne.s32 s0, $0x0;
	_ =	strace $0x90000047  }
0x4e: {  	s0 =	sadd.s32 @!p0 $0x100000, s1;
	[bflag:$0x2] =	sbarrier.arrive $0xFFFF  }
0x4f: {  	[sflag:s0] =	ssyncadd.tile.s32 @!p0 $0x1;
	_ =	shalt  }
.Lfunc_end2:
_tile_overlayer_lowered:
.L_overlay_start_2:
0x50: {  	(tag) =	ssettag $0x2  }
0x51: {  	s0 =	rddreg [dreg:$0x0];
	s2 =	stileid.u32  }
0x52: {  	s1 =	rddreg [dreg:$0x1];
	p0 =	sne.s32 s2, $0x0  }
0x53: {  	s3 =	rddreg [dreg:$0x2];
	[bflag:$0x3] =	sbarrier.arrive $0xFFFF;
	s2 =	simm.s32 @!p0 $0x1C03  }
0x54: {  	[timem:s3], [sflag:s2] =	dma.local @!p0 [hbm:s0], s1  }
0x55: {  	s0 =	simm.s32 @!p0 $0x3  }
0x56: {  	_ =	swait.ge @!p0 [sflag:s0], s1  }
0x57: {  	s1 =	ssub.s32 @!p0 $0x0, s1;
	[sflag:s0] =	ssyncset.done @!p0 $0x0  }
0x58: {  	[sflag:s0] =	ssyncadd.s32 @!p0 s1  }
0x59: {  	[bflag:$0x3] =	sbarrier.arrive $0xFFFF  }
0x5a: {  	_ =	shalt  }

</sc_bundles>
